<compile_context>
chip_gen: v7x
topology: tpu7x:2x2x1
jax: 0.10.2.dev20260603
libtpu: 0.0.44.dev20260713+nightly
codegen_flags: <defaults>
</compile_context>

<pallas_src>
import functools

import jax
import jax.numpy as jnp
from jax import lax
from jax.experimental import pallas as pl
from jax.experimental.pallas import tpu as pltpu
from jax.experimental.pallas import tpu_sc as plsc

NUM_WORKERS = 32
BGROUP = 2


def _make_lookup(batch, hist, hist_pad, embed):
    b_per_w = batch // NUM_WORKERS
    chunks_per_worker = b_per_w // BGROUP
    idx_per_w = b_per_w * hist_pad
    span = BGROUP * hist_pad

    mesh = plsc.VectorSubcoreMesh(core_axis_name="c", subcore_axis_name="s")

    @functools.partial(
        pl.kernel,
        out_type=jax.ShapeDtypeStruct((batch, hist, embed), jnp.float32),
        mesh=mesh,
        scratch_types=[
            pltpu.VMEM((idx_per_w,), jnp.int32),
            pltpu.VMEM((span, embed), jnp.float32),
            pltpu.VMEM((span, embed), jnp.float32),
            pltpu.SemaphoreType.DMA,
            pltpu.SemaphoreType.DMA,
        ],
        compiler_params=pltpu.CompilerParams(use_tc_tiling_on_sc=True),
    )
    def lookup(x_hbm, table_hbm, out_hbm, idx_v, rows_a, rows_b, sem_a, sem_b):
        num_cores = 2
        wid = lax.axis_index("s") * num_cores + lax.axis_index("c")
        b_base = wid * b_per_w

        pltpu.sync_copy(x_hbm.at[pl.ds(wid * idx_per_w, idx_per_w)], idx_v)

        def gather_start(j, buf, sem):
            pltpu.async_copy(
                table_hbm.at[idx_v.at[pl.ds(j * span, span)]], buf, sem)

        def gather_wait(j, buf, sem):
            pltpu.make_async_copy(
                table_hbm.at[idx_v.at[pl.ds(j * span, span)]], buf, sem).wait()

        def writeback(j, buf):
            b0 = b_base + j * BGROUP
            for g in range(BGROUP):
                pltpu.sync_copy(
                    buf.at[pl.ds(g * hist_pad, hist)], out_hbm.at[b0 + g])

        gather_start(0, rows_a, sem_a)
        gather_start(1, rows_b, sem_b)

        def body(jj, carry):
            j0 = 2 * jj
            gather_wait(j0, rows_a, sem_a)
            writeback(j0, rows_a)
            gather_start(j0 + 2, rows_a, sem_a)
            gather_wait(j0 + 1, rows_b, sem_b)
            writeback(j0 + 1, rows_b)
            gather_start(j0 + 3, rows_b, sem_b)
            return carry

        last = chunks_per_worker - 2
        lax.fori_loop(0, chunks_per_worker // 2 - 1, body, 0)
        gather_wait(last, rows_a, sem_a)
        writeback(last, rows_a)
        gather_wait(last + 1, rows_b, sem_b)
        writeback(last + 1, rows_b)

    return lookup


def kernel(x, table):
    batch, hist = x.shape
    vocab, embed = table.shape
    hist_pad = -(-hist // 8) * 8
    assert batch % NUM_WORKERS == 0 and (batch // NUM_WORKERS) % BGROUP == 0
    assert (BGROUP * hist_pad) % 8 == 0 and BGROUP * hist_pad <= 128

    npad = hist_pad - hist
    pad_idx = (jnp.arange(batch * npad, dtype=jnp.int32) * 16381) % vocab
    xp = jnp.concatenate(
        [x.astype(jnp.int32), pad_idx.reshape(batch, npad)], axis=1)
    xp = xp.reshape(batch * hist_pad)

    lookup = _make_lookup(batch, hist, hist_pad, embed)
    return lookup(xp, table)

# --- scband reference (transcript-rebuilt; emitter-appended) ---
"""Pipeline reference for scband-caption-encoder-26405458936412 (READ-ONLY COPY).

The authoritative reference and input builder live on the scoring server;
editing this copy changes nothing except your own understanding.
"""

import jax, jax.numpy as jnp
import numpy as np

VOCAB = 100000
EMBED_DIM = 128
BATCH = 4096
HIST = 50

def setup_inputs(seed: int = 0) -> dict:
    key = jax.random.key(seed)
    k_idx, k_tab = jax.random.split(key)
    x = jax.random.randint(k_idx, (BATCH, HIST), 0, VOCAB, dtype=jnp.int64 if jax.config.jax_enable_x64 else jnp.int32)
    table = jax.random.normal(k_tab, (VOCAB, EMBED_DIM), dtype=jnp.float32) * 0.02
    return {"x": x, "table": table}

def reference(x, table):
    # CaptionEncoder -> SimpleCaptionEncoder -> nn.Embedding(vocab, dim)(x)
    return jnp.take(table, x, axis=0)

if __name__ == "__main__":
    import jax
    _d = setup_inputs()
    print(jax.jit(kernel)(*tuple(_d.values())))

</pallas_src>

<mosaic_0001>
#map = affine_map<(d0, d1) -> (0)>
#map1 = affine_map<(d0, d1) -> (0, 0)>
#map2 = affine_map<(d0, d1) -> (0, 0, 0)>
module attributes {stable_mosaic.version = 14 : i64} {
  func.func @lookup(%arg0: i32, %arg1: i32, %arg2: memref<229376xi32, #tpu.memory_space<hbm>>, %arg3: memref<100000x128xf32, #tpu.memory_space<hbm>>, %arg4: memref<4096x50x128xf32, #tpu.memory_space<hbm>>, %arg5: memref<7168xi32, #tpu.memory_space<vmem>>, %arg6: memref<112x128xf32, #tpu.memory_space<vmem>>, %arg7: memref<112x128xf32, #tpu.memory_space<vmem>>, %arg8: memref<!tpu.dma_semaphore, #tpu.memory_space<semaphore_mem>>, %arg9: memref<!tpu.dma_semaphore, #tpu.memory_space<semaphore_mem>>) attributes {dimension_semantics = [#tpu.dimension_semantics<core_parallel>, #tpu.dimension_semantics<subcore_parallel>], iteration_bounds = array<i64: 2, 16>, scalar_prefetch = 0 : i64, scratch_operands = 5 : i64, tpu.core_type = #tpu.core_type<sc_vector_subcore>, window_params = [{transform_indices = #map}, {transform_indices = #map1}, {transform_indices = #map2}]} {
    %mul3A = arith.constant 2 : i32
    %mul3A_0 = arith.muli %arg1, %mul3A : i32
    %add3A = arith.addi %mul3A_0, %arg0 : i32
    %mul3A_1 = arith.constant 128 : i32
    %mul3A_2 = arith.muli %add3A, %mul3A_1 : i32
    %mul3A_3 = arith.constant 7168 : i32
    %mul3A_4 = arith.muli %add3A, %mul3A_3 : i32
    "tpu.region"() ({
      %run_scoped3A = tpu.sem_alloc : memref<!tpu.dma_semaphore, #tpu.memory_space<semaphore_mem>>
      %dma_start3A_40 = tpu.memref_slice %arg2[%mul3A_4] : memref<229376xi32, #tpu.memory_space<hbm>> -> memref<7168xi32, #tpu.memory_space<hbm>>
      %dma_start3A_41 = tpu.memref_slice %arg2[%mul3A_4] : memref<229376xi32, #tpu.memory_space<hbm>> -> memref<7168xi32, #tpu.memory_space<hbm>>
      tpu.enqueue_dma source(%dma_start3A_41 : memref<7168xi32, #tpu.memory_space<hbm>>) target(%arg5 : memref<7168xi32, #tpu.memory_space<vmem>>) target_semaphore(%run_scoped3A : memref<!tpu.dma_semaphore, #tpu.memory_space<semaphore_mem>>)
      %dma_wait3A_42 = tpu.memref_slice %arg2[%mul3A_4] : memref<229376xi32, #tpu.memory_space<hbm>> -> memref<7168xi32, #tpu.memory_space<hbm>>
      %dma_wait3A_43 = tpu.memref_slice %arg2[%mul3A_4] : memref<229376xi32, #tpu.memory_space<hbm>> -> memref<7168xi32, #tpu.memory_space<hbm>>
      tpu.wait_dma2 semaphore(%run_scoped3A : memref<!tpu.dma_semaphore, #tpu.memory_space<semaphore_mem>>) src(%dma_wait3A_43 : memref<7168xi32, #tpu.memory_space<hbm>>) dst(%arg5 : memref<7168xi32, #tpu.memory_space<vmem>>)
      tpu.yield
    }) : () -> ()
    %dma_start3A = arith.constant 0 : i32
    %dma_start3A_5 = tpu.memref_slice %arg5[%dma_start3A] : memref<7168xi32, #tpu.memory_space<vmem>> -> memref<112xi32, #tpu.memory_space<vmem>>
    %dma_start3A_6 = arith.constant 0 : i32
    %dma_start3A_7 = arith.constant 0 : i32
    %dma_start3A_8 = tpu.memref_slice %arg3[%dma_start3A_6, %dma_start3A_7] : memref<100000x128xf32, #tpu.memory_space<hbm>> -> memref<100000x128xf32, #tpu.memory_space<hbm>>
    tpu.enqueue_indirect_dma source(%dma_start3A_8 : memref<100000x128xf32, #tpu.memory_space<hbm>>) target(%arg6 : memref<112x128xf32, #tpu.memory_space<vmem>>) offsets(%dma_start3A_5 : memref<112xi32, #tpu.memory_space<vmem>>) semaphore(%arg8 : memref<!tpu.dma_semaphore, #tpu.memory_space<semaphore_mem>>)
    %dma_start3A_9 = arith.constant 112 : i32
    %dma_start3A_10 = tpu.memref_slice %arg5[%dma_start3A_9] : memref<7168xi32, #tpu.memory_space<vmem>> -> memref<112xi32, #tpu.memory_space<vmem>>
    %dma_start3A_11 = arith.constant 0 : i32
    %dma_start3A_12 = arith.constant 0 : i32
    %dma_start3A_13 = tpu.memref_slice %arg3[%dma_start3A_11, %dma_start3A_12] : memref<100000x128xf32, #tpu.memory_space<hbm>> -> memref<100000x128xf32, #tpu.memory_space<hbm>>
    tpu.enqueue_indirect_dma source(%dma_start3A_13 : memref<100000x128xf32, #tpu.memory_space<hbm>>) target(%arg7 : memref<112x128xf32, #tpu.memory_space<vmem>>) offsets(%dma_start3A_10 : memref<112xi32, #tpu.memory_space<vmem>>) semaphore(%arg9 : memref<!tpu.dma_semaphore, #tpu.memory_space<semaphore_mem>>)
    %scan3A = arith.constant 0 : i32
    %scan3A_14 = arith.constant 0 : i32
    %scan3A_15 = arith.constant 31 : i32
    %scan3A_16 = arith.addi %scan3A_14, %scan3A_15 : i32
    %scan3A_17 = arith.constant 1 : i32
    scf.for %scan3A_40 = %scan3A_14 to %scan3A_16 step %scan3A_17  : i32 {
      %mul3A_41 = arith.constant 2 : i32
      %mul3A_42 = arith.muli %mul3A_41, %scan3A_40 : i32
      %mul3A_43 = arith.constant 112 : i32
      %mul3A_44 = arith.muli %mul3A_42, %mul3A_43 : i32
      %dma_wait3A_45 = tpu.memref_slice %arg5[%mul3A_44] : memref<7168xi32, #tpu.memory_space<vmem>> -> memref<112xi32, #tpu.memory_space<vmem>>
      %dma_wait3A_46 = arith.constant 0 : i32
      %dma_wait3A_47 = arith.constant 0 : i32
      %dma_wait3A_48 = tpu.memref_slice %arg3[%dma_wait3A_46, %dma_wait3A_47] : memref<100000x128xf32, #tpu.memory_space<hbm>> -> memref<100000x128xf32, #tpu.memory_space<hbm>>
      tpu.wait_indirect_dma semaphore(%arg8 : memref<!tpu.dma_semaphore, #tpu.memory_space<semaphore_mem>>) src(%dma_wait3A_48 : memref<100000x128xf32, #tpu.memory_space<hbm>>) dst(%arg6 : memref<112x128xf32, #tpu.memory_space<vmem>>)
      %mul3A_49 = arith.constant 2 : i32
      %mul3A_50 = arith.muli %mul3A_42, %mul3A_49 : i32
      %add3A_51 = arith.addi %mul3A_2, %mul3A_50 : i32
      %add3A_52 = arith.constant 0 : i32
      %add3A_53 = arith.addi %add3A_51, %add3A_52 : i32
      "tpu.region"() ({
        %run_scoped3A = tpu.sem_alloc : memref<!tpu.dma_semaphore, #tpu.memory_space<semaphore_mem>>
        %dma_start3A_89 = arith.constant 0 : i32
        %dma_start3A_90 = arith.constant 0 : i32
        %dma_start3A_91 = tpu.memref_slice %arg6[%dma_start3A_89, %dma_start3A_90] : memref<112x128xf32, #tpu.memory_space<vmem>> -> memref<50x128xf32, #tpu.memory_space<vmem>>
        %dma_start3A_92 = arith.constant 0 : i32
        %dma_start3A_93 = arith.constant 0 : i32
        %dma_start3A_94 = tpu.memref_slice %arg4[%add3A_53, %dma_start3A_92, %dma_start3A_93] : memref<4096x50x128xf32, #tpu.memory_space<hbm>> -> memref<1x50x128xf32, #tpu.memory_space<hbm>>
        %dma_start3A_95 = tpu.memref_squeeze %dma_start3A_94 : memref<1x50x128xf32, #tpu.memory_space<hbm>> -> memref<50x128xf32, #tpu.memory_space<hbm>>
        %dma_start3A_96 = arith.constant 0 : i32
        %dma_start3A_97 = arith.constant 0 : i32
        %dma_start3A_98 = tpu.memref_slice %arg4[%add3A_53, %dma_start3A_96, %dma_start3A_97] : memref<4096x50x128xf32, #tpu.memory_space<hbm>> -> memref<1x50x128xf32, #tpu.memory_space<hbm>>
        %dma_start3A_99 = tpu.memref_squeeze %dma_start3A_98 : memref<1x50x128xf32, #tpu.memory_space<hbm>> -> memref<50x128xf32, #tpu.memory_space<hbm>>
        %dma_start3A_100 = arith.constant 0 : i32
        %dma_start3A_101 = arith.constant 0 : i32
        %dma_start3A_102 = tpu.memref_slice %arg6[%dma_start3A_100, %dma_start3A_101] : memref<112x128xf32, #tpu.memory_space<vmem>> -> memref<50x128xf32, #tpu.memory_space<vmem>>
        tpu.enqueue_dma source(%dma_start3A_102 : memref<50x128xf32, #tpu.memory_space<vmem>>) target(%dma_start3A_99 : memref<50x128xf32, #tpu.memory_space<hbm>>) target_semaphore(%run_scoped3A : memref<!tpu.dma_semaphore, #tpu.memory_space<semaphore_mem>>)
        %dma_wait3A_103 = arith.constant 0 : i32
        %dma_wait3A_104 = arith.constant 0 : i32
        %dma_wait3A_105 = tpu.memref_slice %arg6[%dma_wait3A_103, %dma_wait3A_104] : memref<112x128xf32, #tpu.memory_space<vmem>> -> memref<50x128xf32, #tpu.memory_space<vmem>>
        %dma_wait3A_106 = arith.constant 0 : i32
        %dma_wait3A_107 = arith.constant 0 : i32
        %dma_wait3A_108 = tpu.memref_slice %arg4[%add3A_53, %dma_wait3A_106, %dma_wait3A_107] : memref<4096x50x128xf32, #tpu.memory_space<hbm>> -> memref<1x50x128xf32, #tpu.memory_space<hbm>>
        %dma_wait3A_109 = tpu.memref_squeeze %dma_wait3A_108 : memref<1x50x128xf32, #tpu.memory_space<hbm>> -> memref<50x128xf32, #tpu.memory_space<hbm>>
        %dma_wait3A_110 = arith.constant 0 : i32
        %dma_wait3A_111 = arith.constant 0 : i32
        %dma_wait3A_112 = tpu.memref_slice %arg4[%add3A_53, %dma_wait3A_110, %dma_wait3A_111] : memref<4096x50x128xf32, #tpu.memory_space<hbm>> -> memref<1x50x128xf32, #tpu.memory_space<hbm>>
        %dma_wait3A_113 = tpu.memref_squeeze %dma_wait3A_112 : memref<1x50x128xf32, #tpu.memory_space<hbm>> -> memref<50x128xf32, #tpu.memory_space<hbm>>
        %dma_wait3A_114 = arith.constant 0 : i32
        %dma_wait3A_115 = arith.constant 0 : i32
        %dma_wait3A_116 = tpu.memref_slice %arg6[%dma_wait3A_114, %dma_wait3A_115] : memref<112x128xf32, #tpu.memory_space<vmem>> -> memref<50x128xf32, #tpu.memory_space<vmem>>
        tpu.wait_dma2 semaphore(%run_scoped3A : memref<!tpu.dma_semaphore, #tpu.memory_space<semaphore_mem>>) src(%dma_wait3A_116 : memref<50x128xf32, #tpu.memory_space<vmem>>) dst(%dma_wait3A_113 : memref<50x128xf32, #tpu.memory_space<hbm>>)
        tpu.yield
      }) : () -> ()
      %add3A_54 = arith.constant 1 : i32
      %add3A_55 = arith.addi %add3A_51, %add3A_54 : i32
      "tpu.region"() ({
        %run_scoped3A = tpu.sem_alloc : memref<!tpu.dma_semaphore, #tpu.memory_space<semaphore_mem>>
        %dma_start3A_89 = arith.constant 56 : i32
        %dma_start3A_90 = arith.constant 0 : i32
        %dma_start3A_91 = tpu.memref_slice %arg6[%dma_start3A_89, %dma_start3A_90] : memref<112x128xf32, #tpu.memory_space<vmem>> -> memref<50x128xf32, #tpu.memory_space<vmem>>
        %dma_start3A_92 = arith.constant 0 : i32
        %dma_start3A_93 = arith.constant 0 : i32
        %dma_start3A_94 = tpu.memref_slice %arg4[%add3A_55, %dma_start3A_92, %dma_start3A_93] : memref<4096x50x128xf32, #tpu.memory_space<hbm>> -> memref<1x50x128xf32, #tpu.memory_space<hbm>>
        %dma_start3A_95 = tpu.memref_squeeze %dma_start3A_94 : memref<1x50x128xf32, #tpu.memory_space<hbm>> -> memref<50x128xf32, #tpu.memory_space<hbm>>
        %dma_start3A_96 = arith.constant 0 : i32
        %dma_start3A_97 = arith.constant 0 : i32
        %dma_start3A_98 = tpu.memref_slice %arg4[%add3A_55, %dma_start3A_96, %dma_start3A_97] : memref<4096x50x128xf32, #tpu.memory_space<hbm>> -> memref<1x50x128xf32, #tpu.memory_space<hbm>>
        %dma_start3A_99 = tpu.memref_squeeze %dma_start3A_98 : memref<1x50x128xf32, #tpu.memory_space<hbm>> -> memref<50x128xf32, #tpu.memory_space<hbm>>
        %dma_start3A_100 = arith.constant 56 : i32
        %dma_start3A_101 = arith.constant 0 : i32
        %dma_start3A_102 = tpu.memref_slice %arg6[%dma_start3A_100, %dma_start3A_101] : memref<112x128xf32, #tpu.memory_space<vmem>> -> memref<50x128xf32, #tpu.memory_space<vmem>>
        tpu.enqueue_dma source(%dma_start3A_102 : memref<50x128xf32, #tpu.memory_space<vmem>>) target(%dma_start3A_99 : memref<50x128xf32, #tpu.memory_space<hbm>>) target_semaphore(%run_scoped3A : memref<!tpu.dma_semaphore, #tpu.memory_space<semaphore_mem>>)
        %dma_wait3A_103 = arith.constant 56 : i32
        %dma_wait3A_104 = arith.constant 0 : i32
        %dma_wait3A_105 = tpu.memref_slice %arg6[%dma_wait3A_103, %dma_wait3A_104] : memref<112x128xf32, #tpu.memory_space<vmem>> -> memref<50x128xf32, #tpu.memory_space<vmem>>
        %dma_wait3A_106 = arith.constant 0 : i32
        %dma_wait3A_107 = arith.constant 0 : i32
        %dma_wait3A_108 = tpu.memref_slice %arg4[%add3A_55, %dma_wait3A_106, %dma_wait3A_107] : memref<4096x50x128xf32, #tpu.memory_space<hbm>> -> memref<1x50x128xf32, #tpu.memory_space<hbm>>
        %dma_wait3A_109 = tpu.memref_squeeze %dma_wait3A_108 : memref<1x50x128xf32, #tpu.memory_space<hbm>> -> memref<50x128xf32, #tpu.memory_space<hbm>>
        %dma_wait3A_110 = arith.constant 0 : i32
        %dma_wait3A_111 = arith.constant 0 : i32
        %dma_wait3A_112 = tpu.memref_slice %arg4[%add3A_55, %dma_wait3A_110, %dma_wait3A_111] : memref<4096x50x128xf32, #tpu.memory_space<hbm>> -> memref<1x50x128xf32, #tpu.memory_space<hbm>>
        %dma_wait3A_113 = tpu.memref_squeeze %dma_wait3A_112 : memref<1x50x128xf32, #tpu.memory_space<hbm>> -> memref<50x128xf32, #tpu.memory_space<hbm>>
        %dma_wait3A_114 = arith.constant 56 : i32
        %dma_wait3A_115 = arith.constant 0 : i32
        %dma_wait3A_116 = tpu.memref_slice %arg6[%dma_wait3A_114, %dma_wait3A_115] : memref<112x128xf32, #tpu.memory_space<vmem>> -> memref<50x128xf32, #tpu.memory_space<vmem>>
        tpu.wait_dma2 semaphore(%run_scoped3A : memref<!tpu.dma_semaphore, #tpu.memory_space<semaphore_mem>>) src(%dma_wait3A_116 : memref<50x128xf32, #tpu.memory_space<vmem>>) dst(%dma_wait3A_113 : memref<50x128xf32, #tpu.memory_space<hbm>>)
        tpu.yield
      }) : () -> ()
      %add3A_56 = arith.constant 2 : i32
      %add3A_57 = arith.addi %mul3A_42, %add3A_56 : i32
      %mul3A_58 = arith.constant 112 : i32
      %mul3A_59 = arith.muli %add3A_57, %mul3A_58 : i32
      %dma_start3A_60 = tpu.memref_slice %arg5[%mul3A_59] : memref<7168xi32, #tpu.memory_space<vmem>> -> memref<112xi32, #tpu.memory_space<vmem>>
      %dma_start3A_61 = arith.constant 0 : i32
      %dma_start3A_62 = arith.constant 0 : i32
      %dma_start3A_63 = tpu.memref_slice %arg3[%dma_start3A_61, %dma_start3A_62] : memref<100000x128xf32, #tpu.memory_space<hbm>> -> memref<100000x128xf32, #tpu.memory_space<hbm>>
      tpu.enqueue_indirect_dma source(%dma_start3A_63 : memref<100000x128xf32, #tpu.memory_space<hbm>>) target(%arg6 : memref<112x128xf32, #tpu.memory_space<vmem>>) offsets(%dma_start3A_60 : memref<112xi32, #tpu.memory_space<vmem>>) semaphore(%arg8 : memref<!tpu.dma_semaphore, #tpu.memory_space<semaphore_mem>>)
      %add3A_64 = arith.constant 1 : i32
      %add3A_65 = arith.addi %mul3A_42, %add3A_64 : i32
      %mul3A_66 = arith.constant 112 : i32
      %mul3A_67 = arith.muli %add3A_65, %mul3A_66 : i32
      %dma_wait3A_68 = tpu.memref_slice %arg5[%mul3A_67] : memref<7168xi32, #tpu.memory_space<vmem>> -> memref<112xi32, #tpu.memory_space<vmem>>
      %dma_wait3A_69 = arith.constant 0 : i32
      %dma_wait3A_70 = arith.constant 0 : i32
      %dma_wait3A_71 = tpu.memref_slice %arg3[%dma_wait3A_69, %dma_wait3A_70] : memref<100000x128xf32, #tpu.memory_space<hbm>> -> memref<100000x128xf32, #tpu.memory_space<hbm>>
      tpu.wait_indirect_dma semaphore(%arg9 : memref<!tpu.dma_semaphore, #tpu.memory_space<semaphore_mem>>) src(%dma_wait3A_71 : memref<100000x128xf32, #tpu.memory_space<hbm>>) dst(%arg7 : memref<112x128xf32, #tpu.memory_space<vmem>>)
      %add3A_72 = arith.constant 1 : i32
      %add3A_73 = arith.addi %mul3A_42, %add3A_72 : i32
      %mul3A_74 = arith.constant 2 : i32
      %mul3A_75 = arith.muli %add3A_73, %mul3A_74 : i32
      %add3A_76 = arith.addi %mul3A_2, %mul3A_75 : i32
      %add3A_77 = arith.constant 0 : i32
      %add3A_78 = arith.addi %add3A_76, %add3A_77 : i32
      "tpu.region"() ({
        %run_scoped3A = tpu.sem_alloc : memref<!tpu.dma_semaphore, #tpu.memory_space<semaphore_mem>>
        %dma_start3A_89 = arith.constant 0 : i32
        %dma_start3A_90 = arith.constant 0 : i32
        %dma_start3A_91 = tpu.memref_slice %arg7[%dma_start3A_89, %dma_start3A_90] : memref<112x128xf32, #tpu.memory_space<vmem>> -> memref<50x128xf32, #tpu.memory_space<vmem>>
        %dma_start3A_92 = arith.constant 0 : i32
        %dma_start3A_93 = arith.constant 0 : i32
        %dma_start3A_94 = tpu.memref_slice %arg4[%add3A_78, %dma_start3A_92, %dma_start3A_93] : memref<4096x50x128xf32, #tpu.memory_space<hbm>> -> memref<1x50x128xf32, #tpu.memory_space<hbm>>
        %dma_start3A_95 = tpu.memref_squeeze %dma_start3A_94 : memref<1x50x128xf32, #tpu.memory_space<hbm>> -> memref<50x128xf32, #tpu.memory_space<hbm>>
        %dma_start3A_96 = arith.constant 0 : i32
        %dma_start3A_97 = arith.constant 0 : i32
        %dma_start3A_98 = tpu.memref_slice %arg4[%add3A_78, %dma_start3A_96, %dma_start3A_97] : memref<4096x50x128xf32, #tpu.memory_space<hbm>> -> memref<1x50x128xf32, #tpu.memory_space<hbm>>
        %dma_start3A_99 = tpu.memref_squeeze %dma_start3A_98 : memref<1x50x128xf32, #tpu.memory_space<hbm>> -> memref<50x128xf32, #tpu.memory_space<hbm>>
        %dma_start3A_100 = arith.constant 0 : i32
        %dma_start3A_101 = arith.constant 0 : i32
        %dma_start3A_102 = tpu.memref_slice %arg7[%dma_start3A_100, %dma_start3A_101] : memref<112x128xf32, #tpu.memory_space<vmem>> -> memref<50x128xf32, #tpu.memory_space<vmem>>
        tpu.enqueue_dma source(%dma_start3A_102 : memref<50x128xf32, #tpu.memory_space<vmem>>) target(%dma_start3A_99 : memref<50x128xf32, #tpu.memory_space<hbm>>) target_semaphore(%run_scoped3A : memref<!tpu.dma_semaphore, #tpu.memory_space<semaphore_mem>>)
        %dma_wait3A_103 = arith.constant 0 : i32
        %dma_wait3A_104 = arith.constant 0 : i32
        %dma_wait3A_105 = tpu.memref_slice %arg7[%dma_wait3A_103, %dma_wait3A_104] : memref<112x128xf32, #tpu.memory_space<vmem>> -> memref<50x128xf32, #tpu.memory_space<vmem>>
        %dma_wait3A_106 = arith.constant 0 : i32
        %dma_wait3A_107 = arith.constant 0 : i32
        %dma_wait3A_108 = tpu.memref_slice %arg4[%add3A_78, %dma_wait3A_106, %dma_wait3A_107] : memref<4096x50x128xf32, #tpu.memory_space<hbm>> -> memref<1x50x128xf32, #tpu.memory_space<hbm>>
        %dma_wait3A_109 = tpu.memref_squeeze %dma_wait3A_108 : memref<1x50x128xf32, #tpu.memory_space<hbm>> -> memref<50x128xf32, #tpu.memory_space<hbm>>
        %dma_wait3A_110 = arith.constant 0 : i32
        %dma_wait3A_111 = arith.constant 0 : i32
        %dma_wait3A_112 = tpu.memref_slice %arg4[%add3A_78, %dma_wait3A_110, %dma_wait3A_111] : memref<4096x50x128xf32, #tpu.memory_space<hbm>> -> memref<1x50x128xf32, #tpu.memory_space<hbm>>
        %dma_wait3A_113 = tpu.memref_squeeze %dma_wait3A_112 : memref<1x50x128xf32, #tpu.memory_space<hbm>> -> memref<50x128xf32, #tpu.memory_space<hbm>>
        %dma_wait3A_114 = arith.constant 0 : i32
        %dma_wait3A_115 = arith.constant 0 : i32
        %dma_wait3A_116 = tpu.memref_slice %arg7[%dma_wait3A_114, %dma_wait3A_115] : memref<112x128xf32, #tpu.memory_space<vmem>> -> memref<50x128xf32, #tpu.memory_space<vmem>>
        tpu.wait_dma2 semaphore(%run_scoped3A : memref<!tpu.dma_semaphore, #tpu.memory_space<semaphore_mem>>) src(%dma_wait3A_116 : memref<50x128xf32, #tpu.memory_space<vmem>>) dst(%dma_wait3A_113 : memref<50x128xf32, #tpu.memory_space<hbm>>)
        tpu.yield
      }) : () -> ()
      %add3A_79 = arith.constant 1 : i32
      %add3A_80 = arith.addi %add3A_76, %add3A_79 : i32
      "tpu.region"() ({
        %run_scoped3A = tpu.sem_alloc : memref<!tpu.dma_semaphore, #tpu.memory_space<semaphore_mem>>
        %dma_start3A_89 = arith.constant 56 : i32
        %dma_start3A_90 = arith.constant 0 : i32
        %dma_start3A_91 = tpu.memref_slice %arg7[%dma_start3A_89, %dma_start3A_90] : memref<112x128xf32, #tpu.memory_space<vmem>> -> memref<50x128xf32, #tpu.memory_space<vmem>>
        %dma_start3A_92 = arith.constant 0 : i32
        %dma_start3A_93 = arith.constant 0 : i32
        %dma_start3A_94 = tpu.memref_slice %arg4[%add3A_80, %dma_start3A_92, %dma_start3A_93] : memref<4096x50x128xf32, #tpu.memory_space<hbm>> -> memref<1x50x128xf32, #tpu.memory_space<hbm>>
        %dma_start3A_95 = tpu.memref_squeeze %dma_start3A_94 : memref<1x50x128xf32, #tpu.memory_space<hbm>> -> memref<50x128xf32, #tpu.memory_space<hbm>>
        %dma_start3A_96 = arith.constant 0 : i32
        %dma_start3A_97 = arith.constant 0 : i32
        %dma_start3A_98 = tpu.memref_slice %arg4[%add3A_80, %dma_start3A_96, %dma_start3A_97] : memref<4096x50x128xf32, #tpu.memory_space<hbm>> -> memref<1x50x128xf32, #tpu.memory_space<hbm>>
        %dma_start3A_99 = tpu.memref_squeeze %dma_start3A_98 : memref<1x50x128xf32, #tpu.memory_space<hbm>> -> memref<50x128xf32, #tpu.memory_space<hbm>>
        %dma_start3A_100 = arith.constant 56 : i32
        %dma_start3A_101 = arith.constant 0 : i32
        %dma_start3A_102 = tpu.memref_slice %arg7[%dma_start3A_100, %dma_start3A_101] : memref<112x128xf32, #tpu.memory_space<vmem>> -> memref<50x128xf32, #tpu.memory_space<vmem>>
        tpu.enqueue_dma source(%dma_start3A_102 : memref<50x128xf32, #tpu.memory_space<vmem>>) target(%dma_start3A_99 : memref<50x128xf32, #tpu.memory_space<hbm>>) target_semaphore(%run_scoped3A : memref<!tpu.dma_semaphore, #tpu.memory_space<semaphore_mem>>)
        %dma_wait3A_103 = arith.constant 56 : i32
        %dma_wait3A_104 = arith.constant 0 : i32
        %dma_wait3A_105 = tpu.memref_slice %arg7[%dma_wait3A_103, %dma_wait3A_104] : memref<112x128xf32, #tpu.memory_space<vmem>> -> memref<50x128xf32, #tpu.memory_space<vmem>>
        %dma_wait3A_106 = arith.constant 0 : i32
        %dma_wait3A_107 = arith.constant 0 : i32
        %dma_wait3A_108 = tpu.memref_slice %arg4[%add3A_80, %dma_wait3A_106, %dma_wait3A_107] : memref<4096x50x128xf32, #tpu.memory_space<hbm>> -> memref<1x50x128xf32, #tpu.memory_space<hbm>>
        %dma_wait3A_109 = tpu.memref_squeeze %dma_wait3A_108 : memref<1x50x128xf32, #tpu.memory_space<hbm>> -> memref<50x128xf32, #tpu.memory_space<hbm>>
        %dma_wait3A_110 = arith.constant 0 : i32
        %dma_wait3A_111 = arith.constant 0 : i32
        %dma_wait3A_112 = tpu.memref_slice %arg4[%add3A_80, %dma_wait3A_110, %dma_wait3A_111] : memref<4096x50x128xf32, #tpu.memory_space<hbm>> -> memref<1x50x128xf32, #tpu.memory_space<hbm>>
        %dma_wait3A_113 = tpu.memref_squeeze %dma_wait3A_112 : memref<1x50x128xf32, #tpu.memory_space<hbm>> -> memref<50x128xf32, #tpu.memory_space<hbm>>
        %dma_wait3A_114 = arith.constant 56 : i32
        %dma_wait3A_115 = arith.constant 0 : i32
        %dma_wait3A_116 = tpu.memref_slice %arg7[%dma_wait3A_114, %dma_wait3A_115] : memref<112x128xf32, #tpu.memory_space<vmem>> -> memref<50x128xf32, #tpu.memory_space<vmem>>
        tpu.wait_dma2 semaphore(%run_scoped3A : memref<!tpu.dma_semaphore, #tpu.memory_space<semaphore_mem>>) src(%dma_wait3A_116 : memref<50x128xf32, #tpu.memory_space<vmem>>) dst(%dma_wait3A_113 : memref<50x128xf32, #tpu.memory_space<hbm>>)
        tpu.yield
      }) : () -> ()
      %add3A_81 = arith.constant 3 : i32
      %add3A_82 = arith.addi %mul3A_42, %add3A_81 : i32
      %mul3A_83 = arith.constant 112 : i32
      %mul3A_84 = arith.muli %add3A_82, %mul3A_83 : i32
      %dma_start3A_85 = tpu.memref_slice %arg5[%mul3A_84] : memref<7168xi32, #tpu.memory_space<vmem>> -> memref<112xi32, #tpu.memory_space<vmem>>
      %dma_start3A_86 = arith.constant 0 : i32
      %dma_start3A_87 = arith.constant 0 : i32
      %dma_start3A_88 = tpu.memref_slice %arg3[%dma_start3A_86, %dma_start3A_87] : memref<100000x128xf32, #tpu.memory_space<hbm>> -> memref<100000x128xf32, #tpu.memory_space<hbm>>
      tpu.enqueue_indirect_dma source(%dma_start3A_88 : memref<100000x128xf32, #tpu.memory_space<hbm>>) target(%arg7 : memref<112x128xf32, #tpu.memory_space<vmem>>) offsets(%dma_start3A_85 : memref<112xi32, #tpu.memory_space<vmem>>) semaphore(%arg9 : memref<!tpu.dma_semaphore, #tpu.memory_space<semaphore_mem>>)
    }
    %scan3A_18 = arith.constant 31 : i32
    %dma_wait3A = arith.constant 6944 : i32
    %dma_wait3A_19 = tpu.memref_slice %arg5[%dma_wait3A] : memref<7168xi32, #tpu.memory_space<vmem>> -> memref<112xi32, #tpu.memory_space<vmem>>
    %dma_wait3A_20 = arith.constant 0 : i32
    %dma_wait3A_21 = arith.constant 0 : i32
    %dma_wait3A_22 = tpu.memref_slice %arg3[%dma_wait3A_20, %dma_wait3A_21] : memref<100000x128xf32, #tpu.memory_space<hbm>> -> memref<100000x128xf32, #tpu.memory_space<hbm>>
    tpu.wait_indirect_dma semaphore(%arg8 : memref<!tpu.dma_semaphore, #tpu.memory_space<semaphore_mem>>) src(%dma_wait3A_22 : memref<100000x128xf32, #tpu.memory_space<hbm>>) dst(%arg6 : memref<112x128xf32, #tpu.memory_space<vmem>>)
    %add3A_23 = arith.constant 124 : i32
    %add3A_24 = arith.addi %mul3A_2, %add3A_23 : i32
    %add3A_25 = arith.constant 0 : i32
    %add3A_26 = arith.addi %add3A_24, %add3A_25 : i32
    "tpu.region"() ({
      %run_scoped3A = tpu.sem_alloc : memref<!tpu.dma_semaphore, #tpu.memory_space<semaphore_mem>>
      %dma_start3A_40 = arith.constant 0 : i32
      %dma_start3A_41 = arith.constant 0 : i32
      %dma_start3A_42 = tpu.memref_slice %arg6[%dma_start3A_40, %dma_start3A_41] : memref<112x128xf32, #tpu.memory_space<vmem>> -> memref<50x128xf32, #tpu.memory_space<vmem>>
      %dma_start3A_43 = arith.constant 0 : i32
      %dma_start3A_44 = arith.constant 0 : i32
      %dma_start3A_45 = tpu.memref_slice %arg4[%add3A_26, %dma_start3A_43, %dma_start3A_44] : memref<4096x50x128xf32, #tpu.memory_space<hbm>> -> memref<1x50x128xf32, #tpu.memory_space<hbm>>
      %dma_start3A_46 = tpu.memref_squeeze %dma_start3A_45 : memref<1x50x128xf32, #tpu.memory_space<hbm>> -> memref<50x128xf32, #tpu.memory_space<hbm>>
      %dma_start3A_47 = arith.constant 0 : i32
      %dma_start3A_48 = arith.constant 0 : i32
      %dma_start3A_49 = tpu.memref_slice %arg4[%add3A_26, %dma_start3A_47, %dma_start3A_48] : memref<4096x50x128xf32, #tpu.memory_space<hbm>> -> memref<1x50x128xf32, #tpu.memory_space<hbm>>
      %dma_start3A_50 = tpu.memref_squeeze %dma_start3A_49 : memref<1x50x128xf32, #tpu.memory_space<hbm>> -> memref<50x128xf32, #tpu.memory_space<hbm>>
      %dma_start3A_51 = arith.constant 0 : i32
      %dma_start3A_52 = arith.constant 0 : i32
      %dma_start3A_53 = tpu.memref_slice %arg6[%dma_start3A_51, %dma_start3A_52] : memref<112x128xf32, #tpu.memory_space<vmem>> -> memref<50x128xf32, #tpu.memory_space<vmem>>
      tpu.enqueue_dma source(%dma_start3A_53 : memref<50x128xf32, #tpu.memory_space<vmem>>) target(%dma_start3A_50 : memref<50x128xf32, #tpu.memory_space<hbm>>) target_semaphore(%run_scoped3A : memref<!tpu.dma_semaphore, #tpu.memory_space<semaphore_mem>>)
      %dma_wait3A_54 = arith.constant 0 : i32
      %dma_wait3A_55 = arith.constant 0 : i32
      %dma_wait3A_56 = tpu.memref_slice %arg6[%dma_wait3A_54, %dma_wait3A_55] : memref<112x128xf32, #tpu.memory_space<vmem>> -> memref<50x128xf32, #tpu.memory_space<vmem>>
      %dma_wait3A_57 = arith.constant 0 : i32
      %dma_wait3A_58 = arith.constant 0 : i32
      %dma_wait3A_59 = tpu.memref_slice %arg4[%add3A_26, %dma_wait3A_57, %dma_wait3A_58] : memref<4096x50x128xf32, #tpu.memory_space<hbm>> -> memref<1x50x128xf32, #tpu.memory_space<hbm>>
      %dma_wait3A_60 = tpu.memref_squeeze %dma_wait3A_59 : memref<1x50x128xf32, #tpu.memory_space<hbm>> -> memref<50x128xf32, #tpu.memory_space<hbm>>
      %dma_wait3A_61 = arith.constant 0 : i32
      %dma_wait3A_62 = arith.constant 0 : i32
      %dma_wait3A_63 = tpu.memref_slice %arg4[%add3A_26, %dma_wait3A_61, %dma_wait3A_62] : memref<4096x50x128xf32, #tpu.memory_space<hbm>> -> memref<1x50x128xf32, #tpu.memory_space<hbm>>
      %dma_wait3A_64 = tpu.memref_squeeze %dma_wait3A_63 : memref<1x50x128xf32, #tpu.memory_space<hbm>> -> memref<50x128xf32, #tpu.memory_space<hbm>>
      %dma_wait3A_65 = arith.constant 0 : i32
      %dma_wait3A_66 = arith.constant 0 : i32
      %dma_wait3A_67 = tpu.memref_slice %arg6[%dma_wait3A_65, %dma_wait3A_66] : memref<112x128xf32, #tpu.memory_space<vmem>> -> memref<50x128xf32, #tpu.memory_space<vmem>>
      tpu.wait_dma2 semaphore(%run_scoped3A : memref<!tpu.dma_semaphore, #tpu.memory_space<semaphore_mem>>) src(%dma_wait3A_67 : memref<50x128xf32, #tpu.memory_space<vmem>>) dst(%dma_wait3A_64 : memref<50x128xf32, #tpu.memory_space<hbm>>)
      tpu.yield
    }) : () -> ()
    %add3A_27 = arith.constant 1 : i32
    %add3A_28 = arith.addi %add3A_24, %add3A_27 : i32
    "tpu.region"() ({
      %run_scoped3A = tpu.sem_alloc : memref<!tpu.dma_semaphore, #tpu.memory_space<semaphore_mem>>
      %dma_start3A_40 = arith.constant 56 : i32
      %dma_start3A_41 = arith.constant 0 : i32
      %dma_start3A_42 = tpu.memref_slice %arg6[%dma_start3A_40, %dma_start3A_41] : memref<112x128xf32, #tpu.memory_space<vmem>> -> memref<50x128xf32, #tpu.memory_space<vmem>>
      %dma_start3A_43 = arith.constant 0 : i32
      %dma_start3A_44 = arith.constant 0 : i32
      %dma_start3A_45 = tpu.memref_slice %arg4[%add3A_28, %dma_start3A_43, %dma_start3A_44] : memref<4096x50x128xf32, #tpu.memory_space<hbm>> -> memref<1x50x128xf32, #tpu.memory_space<hbm>>
      %dma_start3A_46 = tpu.memref_squeeze %dma_start3A_45 : memref<1x50x128xf32, #tpu.memory_space<hbm>> -> memref<50x128xf32, #tpu.memory_space<hbm>>
      %dma_start3A_47 = arith.constant 0 : i32
      %dma_start3A_48 = arith.constant 0 : i32
      %dma_start3A_49 = tpu.memref_slice %arg4[%add3A_28, %dma_start3A_47, %dma_start3A_48] : memref<4096x50x128xf32, #tpu.memory_space<hbm>> -> memref<1x50x128xf32, #tpu.memory_space<hbm>>
      %dma_start3A_50 = tpu.memref_squeeze %dma_start3A_49 : memref<1x50x128xf32, #tpu.memory_space<hbm>> -> memref<50x128xf32, #tpu.memory_space<hbm>>
      %dma_start3A_51 = arith.constant 56 : i32
      %dma_start3A_52 = arith.constant 0 : i32
      %dma_start3A_53 = tpu.memref_slice %arg6[%dma_start3A_51, %dma_start3A_52] : memref<112x128xf32, #tpu.memory_space<vmem>> -> memref<50x128xf32, #tpu.memory_space<vmem>>
      tpu.enqueue_dma source(%dma_start3A_53 : memref<50x128xf32, #tpu.memory_space<vmem>>) target(%dma_start3A_50 : memref<50x128xf32, #tpu.memory_space<hbm>>) target_semaphore(%run_scoped3A : memref<!tpu.dma_semaphore, #tpu.memory_space<semaphore_mem>>)
      %dma_wait3A_54 = arith.constant 56 : i32
      %dma_wait3A_55 = arith.constant 0 : i32
      %dma_wait3A_56 = tpu.memref_slice %arg6[%dma_wait3A_54, %dma_wait3A_55] : memref<112x128xf32, #tpu.memory_space<vmem>> -> memref<50x128xf32, #tpu.memory_space<vmem>>
      %dma_wait3A_57 = arith.constant 0 : i32
      %dma_wait3A_58 = arith.constant 0 : i32
      %dma_wait3A_59 = tpu.memref_slice %arg4[%add3A_28, %dma_wait3A_57, %dma_wait3A_58] : memref<4096x50x128xf32, #tpu.memory_space<hbm>> -> memref<1x50x128xf32, #tpu.memory_space<hbm>>
      %dma_wait3A_60 = tpu.memref_squeeze %dma_wait3A_59 : memref<1x50x128xf32, #tpu.memory_space<hbm>> -> memref<50x128xf32, #tpu.memory_space<hbm>>
      %dma_wait3A_61 = arith.constant 0 : i32
      %dma_wait3A_62 = arith.constant 0 : i32
      %dma_wait3A_63 = tpu.memref_slice %arg4[%add3A_28, %dma_wait3A_61, %dma_wait3A_62] : memref<4096x50x128xf32, #tpu.memory_space<hbm>> -> memref<1x50x128xf32, #tpu.memory_space<hbm>>
      %dma_wait3A_64 = tpu.memref_squeeze %dma_wait3A_63 : memref<1x50x128xf32, #tpu.memory_space<hbm>> -> memref<50x128xf32, #tpu.memory_space<hbm>>
      %dma_wait3A_65 = arith.constant 56 : i32
      %dma_wait3A_66 = arith.constant 0 : i32
      %dma_wait3A_67 = tpu.memref_slice %arg6[%dma_wait3A_65, %dma_wait3A_66] : memref<112x128xf32, #tpu.memory_space<vmem>> -> memref<50x128xf32, #tpu.memory_space<vmem>>
      tpu.wait_dma2 semaphore(%run_scoped3A : memref<!tpu.dma_semaphore, #tpu.memory_space<semaphore_mem>>) src(%dma_wait3A_67 : memref<50x128xf32, #tpu.memory_space<vmem>>) dst(%dma_wait3A_64 : memref<50x128xf32, #tpu.memory_space<hbm>>)
      tpu.yield
    }) : () -> ()
    %dma_wait3A_29 = arith.constant 7056 : i32
    %dma_wait3A_30 = tpu.memref_slice %arg5[%dma_wait3A_29] : memref<7168xi32, #tpu.memory_space<vmem>> -> memref<112xi32, #tpu.memory_space<vmem>>
    %dma_wait3A_31 = arith.constant 0 : i32
    %dma_wait3A_32 = arith.constant 0 : i32
    %dma_wait3A_33 = tpu.memref_slice %arg3[%dma_wait3A_31, %dma_wait3A_32] : memref<100000x128xf32, #tpu.memory_space<hbm>> -> memref<100000x128xf32, #tpu.memory_space<hbm>>
    tpu.wait_indirect_dma semaphore(%arg9 : memref<!tpu.dma_semaphore, #tpu.memory_space<semaphore_mem>>) src(%dma_wait3A_33 : memref<100000x128xf32, #tpu.memory_space<hbm>>) dst(%arg7 : memref<112x128xf32, #tpu.memory_space<vmem>>)
    %add3A_34 = arith.constant 126 : i32
    %add3A_35 = arith.addi %mul3A_2, %add3A_34 : i32
    %add3A_36 = arith.constant 0 : i32
    %add3A_37 = arith.addi %add3A_35, %add3A_36 : i32
    "tpu.region"() ({
      %run_scoped3A = tpu.sem_alloc : memref<!tpu.dma_semaphore, #tpu.memory_space<semaphore_mem>>
      %dma_start3A_40 = arith.constant 0 : i32
      %dma_start3A_41 = arith.constant 0 : i32
      %dma_start3A_42 = tpu.memref_slice %arg7[%dma_start3A_40, %dma_start3A_41] : memref<112x128xf32, #tpu.memory_space<vmem>> -> memref<50x128xf32, #tpu.memory_space<vmem>>
      %dma_start3A_43 = arith.constant 0 : i32
      %dma_start3A_44 = arith.constant 0 : i32
      %dma_start3A_45 = tpu.memref_slice %arg4[%add3A_37, %dma_start3A_43, %dma_start3A_44] : memref<4096x50x128xf32, #tpu.memory_space<hbm>> -> memref<1x50x128xf32, #tpu.memory_space<hbm>>
      %dma_start3A_46 = tpu.memref_squeeze %dma_start3A_45 : memref<1x50x128xf32, #tpu.memory_space<hbm>> -> memref<50x128xf32, #tpu.memory_space<hbm>>
      %dma_start3A_47 = arith.constant 0 : i32
      %dma_start3A_48 = arith.constant 0 : i32
      %dma_start3A_49 = tpu.memref_slice %arg4[%add3A_37, %dma_start3A_47, %dma_start3A_48] : memref<4096x50x128xf32, #tpu.memory_space<hbm>> -> memref<1x50x128xf32, #tpu.memory_space<hbm>>
      %dma_start3A_50 = tpu.memref_squeeze %dma_start3A_49 : memref<1x50x128xf32, #tpu.memory_space<hbm>> -> memref<50x128xf32, #tpu.memory_space<hbm>>
      %dma_start3A_51 = arith.constant 0 : i32
      %dma_start3A_52 = arith.constant 0 : i32
      %dma_start3A_53 = tpu.memref_slice %arg7[%dma_start3A_51, %dma_start3A_52] : memref<112x128xf32, #tpu.memory_space<vmem>> -> memref<50x128xf32, #tpu.memory_space<vmem>>
      tpu.enqueue_dma source(%dma_start3A_53 : memref<50x128xf32, #tpu.memory_space<vmem>>) target(%dma_start3A_50 : memref<50x128xf32, #tpu.memory_space<hbm>>) target_semaphore(%run_scoped3A : memref<!tpu.dma_semaphore, #tpu.memory_space<semaphore_mem>>)
      %dma_wait3A_54 = arith.constant 0 : i32
      %dma_wait3A_55 = arith.constant 0 : i32
      %dma_wait3A_56 = tpu.memref_slice %arg7[%dma_wait3A_54, %dma_wait3A_55] : memref<112x128xf32, #tpu.memory_space<vmem>> -> memref<50x128xf32, #tpu.memory_space<vmem>>
      %dma_wait3A_57 = arith.constant 0 : i32
      %dma_wait3A_58 = arith.constant 0 : i32
      %dma_wait3A_59 = tpu.memref_slice %arg4[%add3A_37, %dma_wait3A_57, %dma_wait3A_58] : memref<4096x50x128xf32, #tpu.memory_space<hbm>> -> memref<1x50x128xf32, #tpu.memory_space<hbm>>
      %dma_wait3A_60 = tpu.memref_squeeze %dma_wait3A_59 : memref<1x50x128xf32, #tpu.memory_space<hbm>> -> memref<50x128xf32, #tpu.memory_space<hbm>>
      %dma_wait3A_61 = arith.constant 0 : i32
      %dma_wait3A_62 = arith.constant 0 : i32
      %dma_wait3A_63 = tpu.memref_slice %arg4[%add3A_37, %dma_wait3A_61, %dma_wait3A_62] : memref<4096x50x128xf32, #tpu.memory_space<hbm>> -> memref<1x50x128xf32, #tpu.memory_space<hbm>>
      %dma_wait3A_64 = tpu.memref_squeeze %dma_wait3A_63 : memref<1x50x128xf32, #tpu.memory_space<hbm>> -> memref<50x128xf32, #tpu.memory_space<hbm>>
      %dma_wait3A_65 = arith.constant 0 : i32
      %dma_wait3A_66 = arith.constant 0 : i32
      %dma_wait3A_67 = tpu.memref_slice %arg7[%dma_wait3A_65, %dma_wait3A_66] : memref<112x128xf32, #tpu.memory_space<vmem>> -> memref<50x128xf32, #tpu.memory_space<vmem>>
      tpu.wait_dma2 semaphore(%run_scoped3A : memref<!tpu.dma_semaphore, #tpu.memory_space<semaphore_mem>>) src(%dma_wait3A_67 : memref<50x128xf32, #tpu.memory_space<vmem>>) dst(%dma_wait3A_64 : memref<50x128xf32, #tpu.memory_space<hbm>>)
      tpu.yield
    }) : () -> ()
    %add3A_38 = arith.constant 1 : i32
    %add3A_39 = arith.addi %add3A_35, %add3A_38 : i32
    "tpu.region"() ({
      %run_scoped3A = tpu.sem_alloc : memref<!tpu.dma_semaphore, #tpu.memory_space<semaphore_mem>>
      %dma_start3A_40 = arith.constant 56 : i32
      %dma_start3A_41 = arith.constant 0 : i32
      %dma_start3A_42 = tpu.memref_slice %arg7[%dma_start3A_40, %dma_start3A_41] : memref<112x128xf32, #tpu.memory_space<vmem>> -> memref<50x128xf32, #tpu.memory_space<vmem>>
      %dma_start3A_43 = arith.constant 0 : i32
      %dma_start3A_44 = arith.constant 0 : i32
      %dma_start3A_45 = tpu.memref_slice %arg4[%add3A_39, %dma_start3A_43, %dma_start3A_44] : memref<4096x50x128xf32, #tpu.memory_space<hbm>> -> memref<1x50x128xf32, #tpu.memory_space<hbm>>
      %dma_start3A_46 = tpu.memref_squeeze %dma_start3A_45 : memref<1x50x128xf32, #tpu.memory_space<hbm>> -> memref<50x128xf32, #tpu.memory_space<hbm>>
      %dma_start3A_47 = arith.constant 0 : i32
      %dma_start3A_48 = arith.constant 0 : i32
      %dma_start3A_49 = tpu.memref_slice %arg4[%add3A_39, %dma_start3A_47, %dma_start3A_48] : memref<4096x50x128xf32, #tpu.memory_space<hbm>> -> memref<1x50x128xf32, #tpu.memory_space<hbm>>
      %dma_start3A_50 = tpu.memref_squeeze %dma_start3A_49 : memref<1x50x128xf32, #tpu.memory_space<hbm>> -> memref<50x128xf32, #tpu.memory_space<hbm>>
      %dma_start3A_51 = arith.constant 56 : i32
      %dma_start3A_52 = arith.constant 0 : i32
      %dma_start3A_53 = tpu.memref_slice %arg7[%dma_start3A_51, %dma_start3A_52] : memref<112x128xf32, #tpu.memory_space<vmem>> -> memref<50x128xf32, #tpu.memory_space<vmem>>
      tpu.enqueue_dma source(%dma_start3A_53 : memref<50x128xf32, #tpu.memory_space<vmem>>) target(%dma_start3A_50 : memref<50x128xf32, #tpu.memory_space<hbm>>) target_semaphore(%run_scoped3A : memref<!tpu.dma_semaphore, #tpu.memory_space<semaphore_mem>>)
      %dma_wait3A_54 = arith.constant 56 : i32
      %dma_wait3A_55 = arith.constant 0 : i32
      %dma_wait3A_56 = tpu.memref_slice %arg7[%dma_wait3A_54, %dma_wait3A_55] : memref<112x128xf32, #tpu.memory_space<vmem>> -> memref<50x128xf32, #tpu.memory_space<vmem>>
      %dma_wait3A_57 = arith.constant 0 : i32
      %dma_wait3A_58 = arith.constant 0 : i32
      %dma_wait3A_59 = tpu.memref_slice %arg4[%add3A_39, %dma_wait3A_57, %dma_wait3A_58] : memref<4096x50x128xf32, #tpu.memory_space<hbm>> -> memref<1x50x128xf32, #tpu.memory_space<hbm>>
      %dma_wait3A_60 = tpu.memref_squeeze %dma_wait3A_59 : memref<1x50x128xf32, #tpu.memory_space<hbm>> -> memref<50x128xf32, #tpu.memory_space<hbm>>
      %dma_wait3A_61 = arith.constant 0 : i32
      %dma_wait3A_62 = arith.constant 0 : i32
      %dma_wait3A_63 = tpu.memref_slice %arg4[%add3A_39, %dma_wait3A_61, %dma_wait3A_62] : memref<4096x50x128xf32, #tpu.memory_space<hbm>> -> memref<1x50x128xf32, #tpu.memory_space<hbm>>
      %dma_wait3A_64 = tpu.memref_squeeze %dma_wait3A_63 : memref<1x50x128xf32, #tpu.memory_space<hbm>> -> memref<50x128xf32, #tpu.memory_space<hbm>>
      %dma_wait3A_65 = arith.constant 56 : i32
      %dma_wait3A_66 = arith.constant 0 : i32
      %dma_wait3A_67 = tpu.memref_slice %arg7[%dma_wait3A_65, %dma_wait3A_66] : memref<112x128xf32, #tpu.memory_space<vmem>> -> memref<50x128xf32, #tpu.memory_space<vmem>>
      tpu.wait_dma2 semaphore(%run_scoped3A : memref<!tpu.dma_semaphore, #tpu.memory_space<semaphore_mem>>) src(%dma_wait3A_67 : memref<50x128xf32, #tpu.memory_space<vmem>>) dst(%dma_wait3A_64 : memref<50x128xf32, #tpu.memory_space<hbm>>)
      tpu.yield
    }) : () -> ()
    return
  }
}

</mosaic_0001>

<sc_bundles>
// kernel: kernel.3.cloned.1.call-start
scs
__scs_entry_jumppad:
0x0: {  	(pc) =	sbr.rel $0x88, $3  }
0x1: {  	(tag) =	ssettag $0x0;
	lr =	simm.s32 $0x1  }
0x2: {  	[smem:$0x3F9F] =	sst lr;
	_ =	strace $0xD0000000  }
0x3: {  	_ = 	snop  }
0x4: {  	_ = 	snop  }
0x5: {  	_ = 	snop  }
0x6: {  	_ = 	snop  }
0x7: {  	_ = 	snop  }
__scs_overlays_trampoline_lowered:
0x8: {  	[smem:$0x3FAE] =	sst s0  }
0x9: {  	[smem:$0x3FAF] =	sst s1  }
0xa: {  	[smem:$0x3FB0] =	sst s2  }
0xb: {  	[smem:$0x3FB1] =	sst s3  }
0xc: {  	[smem:$0x3FB2] =	sst s4  }
0xd: {  	[smem:$0x3FB3] =	sst s5  }
0xe: {  	[smem:$0x3FB4] =	sst s6  }
0xf: {  	[smem:$0x3FB5] =	sst s7  }
0x10: {  	[smem:$0x3FB6] =	sst s8  }
0x11: {  	[smem:$0x3FB7] =	sst s9;
	s0 =	simm.s32 @!p0 $0x0  }
0x12: {  	s1 =	sld [smem:$0x3F9D];
	s0 =	simm.s32 @p0 $0x1  }
0x13: {  	[smem:$0x3FB8] =	sst s0;
	s0 =	simm.s32 @!p1 $0x0  }
0x14: {  	s2 =	sld [smem:$0x3F9C];
	s0 =	simm.s32 @p1 $0x1  }
0x15: {  	[smem:$0x3FB9] =	sst s0;
	s0 =	simm.s32 @!p2 $0x0  }
0x16: {  	s3 =	sld [smem:$0x3FDB];
	s0 =	simm.s32 @p2 $0x1  }
0x17: {  	s4 =	simm.s32 $0x1BF5;
	[smem:$0x3FBB] =	sst s0  }
0x18: {  	s0 =	sld [smem:$0x3F9E];
	_ =	swait.ge [sflag:s4], $0x0  }
0x19: {  	s7 =	sld [smem:$0x3F9F]  }
0x1a: {  	s8 =	sadd.s32 $0xFFFFE003, lr  }
0x1b: {  	s9 =	sadd.s32 $0xFFFFFEF7, lr;
	s5 =	simm.s32 $0xFFFFFFFF;
	p2 =	slt.u32 s8, $0xFFFFF086  }
0x1c: {  	p1 =	slt.u32 s9, $0xF7A;
	s5 =	simm.s32 @!p2 $0x0  }
0x1d: {  	s5 =	simm.s32 @p1 $0x1;
	p0 =	seq.s32 s7, s2  }
0x1e: {  	s7 =	smul.u32 @!p0 $0xF7A, s2;
	p2 =	seq.s32 @!p0 s5, $0x0  }
0x1f: {  	s9 =	smul.u32 $0xF7A, s1;
	s8 =	simm.s32 @!p0 $0x1BF5;
	p2 =	por !p2, p0  }
0x20: {  	[sflag:s8] =	ssyncset.s32 @!p0 $0xFFFFF086;
	s6 =	sadd.s32 @!p0 s3, s7;
	s7 =	simm.s32 @!p0 $0x108  }
0x21: {  	s3 =	sadd.s32 s3, s9;
	s6 =	sadd.s32 @!p0 $0x88, s6;
	s7 =	simm.s32 @p2 $0x1082  }
0x22: {  	[simem:s7], [sflag:s8] =	dma.local @!p0 [hbm:s6], $0xF7A  }
0x23: {  	s9 =	sor.u32 $0xD0000000, s2;
	s6 =	simm.s32 $0x108;
	_ =	swait.ge @!p0 [sflag:s8], $0x0  }
0x24: {  	s3 =	sadd.s32 $0x88, s3;
	s6 =	simm.s32 @!p1 $0x1082;
	[sflag:s4] =	ssyncset.s32 $0xFFFFF086  }
0x25: {  	[simem:s6], [sflag:s4] =	dma.local [hbm:s3], $0xF7A  }
0x26: {  	[smem:$0x3F9F] =	sst s1;
	(tag) =	ssettag s2;
	_ =	strace s9  }
0x27: {  	s1 =	sld [smem:$0x3FAF]  }
0x28: {  	s2 =	sld [smem:$0x3FB0]  }
0x29: {  	s4 =	sld [smem:$0x3FB2]  }
0x2a: {  	p0 =	seq.s32 s5, $0x0;
	s5 =	sld [smem:$0x3FB3]  }
0x2b: {  	s6 =	sld [smem:$0x3FB4]  }
0x2c: {  	s7 =	sld [smem:$0x3FB5]  }
0x2d: {  	s3 =	simm.s32 $0x108;
	s8 =	sld [smem:$0x3FB6]  }
0x2e: {  	s3 =	simm.s32 @!p0 $0x1082;
	s9 =	sld [smem:$0x3FB7]  }
0x2f: {  	lr =	sadd.s32 s0, s3;
	s0 =	sld [smem:$0x3FAE]  }
0x30: {  	s3 =	sld [smem:$0x3FB1]  }
0x31: {  	[smem:$0x3FBA] =	sst s10  }
0x32: {  	s10 =	sld [smem:$0x3FB8];
	_ =	sdelay $0x3  }
0x33: {  	p0 =	seq.s32 s10, $0x1;
	s10 =	sld [smem:$0x3FBA];
	_ =	sdelay $0x3  }
0x34: {  	[smem:$0x3FBA] =	sst s10  }
0x35: {  	s10 =	sld [smem:$0x3FB9];
	_ =	sdelay $0x3  }
0x36: {  	p1 =	seq.s32 s10, $0x1;
	s10 =	sld [smem:$0x3FBA];
	_ =	sdelay $0x3  }
0x37: {  	[smem:$0x3FBA] =	sst s10  }
0x38: {  	s10 =	sld [smem:$0x3FBB]  }
0x39: {  	_ = 	snop;
	(pc) =	sbr.ind lr, $3  }
0x3a: {  	_ = 	snop  }
0x3b: {  	_ = 	snop  }
0x3c: {  	p2 =	seq.s32 s10, $0x1;
	s10 =	sld [smem:$0x3FBA]  }
0x3d: {  	_ =	shalt  }
0x3e: {  	_ =	shalt  }
0x3f: {  	_ =	shalt  }
0x40: {  	_ =	shalt  }
0x41: {  	_ =	shalt  }
0x42: {  	_ =	shalt  }
0x43: {  	_ =	shalt  }
0x44: {  	_ =	shalt  }
0x45: {  	_ =	shalt  }
0x46: {  	_ =	shalt  }
0x47: {  	_ =	shalt  }
0x48: {  	_ =	shalt  }
0x49: {  	_ =	shalt  }
0x4a: {  	_ =	shalt  }
0x4b: {  	_ =	shalt  }
0x4c: {  	_ =	shalt  }
0x4d: {  	_ =	shalt  }
0x4e: {  	_ =	shalt  }
0x4f: {  	_ =	shalt  }
0x50: {  	_ =	shalt  }
0x51: {  	_ =	shalt  }
0x52: {  	_ =	shalt  }
0x53: {  	_ =	shalt  }
0x54: {  	_ =	shalt  }
0x55: {  	_ =	shalt  }
0x56: {  	_ =	shalt  }
0x57: {  	_ =	shalt  }
0x58: {  	_ =	shalt  }
0x59: {  	_ =	shalt  }
0x5a: {  	_ =	shalt  }
0x5b: {  	_ =	shalt  }
0x5c: {  	_ =	shalt  }
0x5d: {  	_ =	shalt  }
0x5e: {  	_ =	shalt  }
0x5f: {  	_ =	shalt  }
0x60: {  	_ =	shalt  }
0x61: {  	_ =	shalt  }
0x62: {  	_ =	shalt  }
0x63: {  	_ =	shalt  }
0x64: {  	_ =	shalt  }
0x65: {  	_ =	shalt  }
0x66: {  	_ =	shalt  }
0x67: {  	_ =	shalt  }
0x68: {  	_ =	shalt  }
0x69: {  	_ =	shalt  }
0x6a: {  	_ =	shalt  }
0x6b: {  	_ =	shalt  }
0x6c: {  	_ =	shalt  }
0x6d: {  	_ =	shalt  }
0x6e: {  	_ =	shalt  }
0x6f: {  	_ =	shalt  }
0x70: {  	_ =	shalt  }
0x71: {  	_ =	shalt  }
0x72: {  	_ =	shalt  }
0x73: {  	_ =	shalt  }
0x74: {  	_ =	shalt  }
0x75: {  	_ =	shalt  }
0x76: {  	_ =	shalt  }
0x77: {  	_ =	shalt  }
0x78: {  	_ =	shalt  }
0x79: {  	_ =	shalt  }
0x7a: {  	_ =	shalt  }
0x7b: {  	_ =	shalt  }
0x7c: {  	_ =	shalt  }
0x7d: {  	_ =	shalt  }
0x7e: {  	_ =	shalt  }
0x7f: {  	_ =	shalt  }
0x80: {  	_ =	shalt  }
0x81: {  	_ =	shalt  }
0x82: {  	_ =	shalt  }
0x83: {  	_ =	shalt  }
0x84: {  	_ =	shalt  }
0x85: {  	_ =	shalt  }
0x86: {  	_ =	shalt  }
0x87: {  	_ =	shalt  }
.Lfunc_end0:
.L_simem_size_0:
called_computation_lowered:
.L_overlay_start_0:
0x88: {  	s2 =	sld [smem:$0x3FD9]  }
0x89: {  	s3 =	sld [smem:$0x3FFE];
	_ =	sdelay $0x1  }
0x8a: {  	s1 =	srdreg.scid  }
0x8b: {  	s0 =	sand.u32 $0x1, s1  }
0x8c: {  	s17 =	sshll.u32 s0, $0xA;
	s2 =	sadd.s32 s3, s2  }
0x8d: {  	s2 =	sadd.s32 s2, s17  }
0x8e: {  	[smem:$0x3FC6] =	sst s2  }
0x8f: {  	_ = 	snop  }
0x90: {  	s2 =	sld [smem:$0x3FC8]  }
0x91: {  	s18 =	sld [smem:$0x3FD0];
	(tm) =	ssettm $0x1  }
0x92: {  	s4 =	sld [smem:$0x3FFB];
	_ =	sdelay $0x3  }
0x93: {  	_ =	strace s4  }
0x94: {  	s4 =	sld [smem:$0x3FFC];
	_ =	sdelay $0x3  }
0x95: {  	_ =	strace s4  }
0x96: {  	s4 =	sld [smem:$0x3FFD];
	_ =	sdelay $0x3  }
0x97: {  	_ =	strace s4  }
0x98: {  	_ =	strace $0x8FFFFFFF  }
0x99: {  	s19 =	sld [smem:$0x3FDB];
	_ =	sdelay $0x1  }
0x9a: {  	s5 =	simm.s32 $_scs_section_size  }
0x9b: {  	s6 =	simm.s32 $_size__tile_overlayer_lowered;
	s7 =	simm.s32 $_tile_overlayer_lowered  }
0x9c: {  	s22 =	simm.s32 $0x1BFF;
	s21 =	sshll.u32 s7, $0x1;
	s4 =	sadd.s32 s5, s19  }
0x9d: {  	s8 =	simm.s32 $0x0;
	s20 =	sshll.u32 s6, $0x1;
	s6 =	sadd.s32 s21, s4  }
0x9e: {  	[timem:s8], [sflag:s22] =	dma.local [hbm:s6], s20  }
0x9f: {  	_ =	swait.ge [sflag:s22], s20  }
0xa0: {  	s5 =	ssub.s32 $0x0, s20;
	[sflag:s22] =	ssyncset.done $0x0  }
0xa1: {  	[sflag:s22] =	ssyncadd.s32 s5;
	_ =	sdelay $0x1  }
0xa2: {  	s23 =	simm.s32 $0x1B8B  }
0xa3: {  	_ =	swait.ge [sflag:s23], $0x1  }
0xa4: {  	[sflag:s23] =	ssyncset.done $0x0  }
0xa5: {  	s25 =	simm.s32 $0x1B8E;
	s24 =	sld [smem:$0x3FFE];
	[sflag:s23] =	ssyncadd.s32 $0xFFFFFFFF  }
0xa6: {  	s26 =	simm.s32 $execute0_lowered;
	[smem:$0x3FD2] =	sst s25  }
0xa7: {  	s6 =	sshll.u32 s26, $0x1;
	_ =	strace $0x80000046;
	[dreg:$0x1] =	wrdreg $0xFFFFFFFF  }
0xa8: {  	s28 =	simm.s32 $_size_execute0_lowered;
	s4 =	sadd.s32 s4, s6;
	[dreg:$0x0] =	wrdreg $0x0  }
0xa9: {  	s6 =	sshll.u32 s28, $0x1;
	[dreg:$0x2] =	wrdreg s4  }
0xaa: {  	[dreg:$0x3] =	wrdreg s6  }
0xab: {  	[dreg:$0x4] =	wrdreg $0xC0  }
0xac: {  	_ =	task [dreg:s8], $0x5FFFF  }
0xad: {  	[dreg:$0x1] =	wrdreg $0xFFFFFFFF  }
0xae: {  	[dreg:$0x0] =	wrdreg $0x60  }
0xaf: {  	[dreg:$0x2] =	wrdreg s18  }
0xb0: {  	[dreg:$0x3] =	wrdreg s2  }
0xb1: {  	[dreg:$0x4] =	wrdreg s24  }
0xb2: {  	[dreg:$0x5] =	wrdreg $0x9  }
0xb3: {  	_ =	task.clear_ibuf [dreg:s8], $0x6FFFF;
	_ =	strace $0x90000046  }
0xb4: {  	s29 =	simm.s32 $0x9;
	_ =	strace $0x80000048  }
0xb5: {  	_ =	swait.ge [sflag:s29], $0x1  }
0xb6: {  	[sflag:s29] =	ssyncadd.s32 $0xFFFFFFFF  }
0xb7: {  	_ =	strace $0x90000048  }
0xb8: {  	_ =	sfence  }
0xb9: {  	s30 =	sld [smem:$0x0];
	_ =	sdelay $0x2  }
0xba: {  	s31 =	sshll.u32 s1, $0xD;
	s1 =	sshrl.u32 s1, $0x2  }
0xbb: {  	s3 =	sand.u32 $0x4000, s31;
	s1 =	sadd.s32 s1, s30  }
0xbc: {  	s0 =	sor.u32 s3, s0;
	s1 =	sshll.u32 s1, $0x11  }
0xbd: {  	s0 =	sor.u32 s1, s0  }
0xbe: {  	s0 =	sadd.s32 $0x8F2B, s0  }
0xbf: {  	[sflag:s0] =	ssyncadd.remote.s32 $0x1  }
0xc0: {  	_ =	sfence.sel $0xFFFF  }
0xc1: {  	[dreg:$0x0] =	wrdreg $0xFFFFFFFF;
	(pc) =	sbr.abs _section_cstart, $3  }
0xc2: {  	[dreg:$0x1] =	wrdreg $0xFFFFFFFF  }
0xc3: {  	_ =	task.clear_ibuf [dreg:s8], $0x2FFFF;
	_ =	strace $0x9FFFFFFF  }
0xc4: {  	(tm) =	ssettm $0x7FFFFFFF  }
0xc5: {  	_ =	shalt  }
tec
execute0_lowered:
.L_overlay_start_1:
0x0: {  	(tag) =	ssettag $0x1  }
0x1: {  	s4 =	rddreg [dreg:$0x0]  }
0x2: {  	s2 =	rddreg [dreg:$0x1];
	s1 =	srdreg.scid  }
0x3: {  	s0 =	stileid.u32;
	s5 =	rddreg [dreg:$0x2];
	s3 =	simm.s32 $0x0  }
0x4: {  	s16 =	simm.s32 $0x5400;
	s17 =	simm.s32 $0x1;
	s18 =	simm.s32 $0x3800  }
0x5: {  	s19 =	simm.s32 $0x2;
	s20 =	simm.s32 $0x7000;
	s11 =	smul.u32 $0x1C0000, s0  }
0x6: {  	s21 =	simm.s32 $0x0;
	s10 =	sand.u32 $0x1, s1;
	s28 =	smul.u32 $0x38000, s0  }
0x7: {  	s6 =	sshll.u32 s0, $0x1;
	s1 =	rddreg [dreg:$0x3];
	s13 =	smul.u32 $0xE0000, s10  }
0x8: {  	[smem:$0x7FF] =	sst s3;
	s6 =	sor.u32 s10, s6;
	s15 =	smul.u32 $0x1C000, s10  }
0x9: {  	s12 =	sadd.s32 $0x400, s5;
	s25 =	ssub.s32 $0x2, s10;
	s7 =	smul.u32 $0xE0000, s6  }
0xa: {  	_ =	strace $0x80000047;
	s8 =	sshrl.u32 s25, $0x1;
	s6 =	smul.u32 $0x380, s6  }
0xb: {  	s9 =	ssub.s32 s25, s8;
	s11 =	sadd.s32 s13, s11;
	s13 =	sadd.s32 s28, s12  }
0xc: {  	s7 =	sshrl.u32 s7, $0x3;
	s4 =	sadd.s32 s4, s6;
	s9 =	smax.u32 s9, $0x1  }
0xd: {  	s14 =	sor.u32 $0x5400, s11;
	s29 =	sor.u32 $0x1C00, s11;
	s11 =	sadd.s32 s15, s13  }
0xe: {  	s13 =	simm.s32 $0x3;
	s15 =	simm.s32 $0x1C00;
	s26 =	sadd.s32 s12, s7  }
0xf: {  	s30 =	sshrl.u32 s14, $0x3;
	s31 =	sshrl.u32 s29, $0x3;
	s14 =	simm.s32 $0x70  }
0x10: {  	s5 =	sadd.s32 $0x1B200, s26;
	s6 =	sadd.s32 $0x1B580, s26;
	s7 =	sadd.s32 $0x1B900, s26  }
0x11: {  	s8 =	sadd.s32 $0x1BC80, s26;
	s10 =	sadd.s32 s30, s12;
	s12 =	sadd.s32 s31, s12  }
.LBB2_1:
0x12: {  	[tilespmem:s3], [sflag:$0x3] =	stream.linear.gather [hbm4b:s4+s3], $0x1C00, $0x38;
	[tilespmem:$0x8C00] =	vst v63  }
0x13: {  	_ =	swait.ge [sflag:s13], $0x1C00  }
0x14: {  	[sflag:s13] =	ssyncset.done $0x0  }
0x15: {  	[sflag:s13] =	ssyncadd.s32 $0xFFFFE400  }
0x16: {  	[tilespmem:s15], [sflag:$0x1] =	stream.indirect.gather [hbm4b:s2+s14], $0x80, s3, s14, $0xb8;
	[tilespmem:$0x8C00] =	vst v63  }
0x17: {  	_ = 	snop  }
0x18: {  	[tilespmem:s16], [sflag:$0x2] =	stream.indirect.gather [hbm4b:s2+s14], $0x80, s14, s14, $0xb8;
	[tilespmem:$0x8C00] =	vst v63  }
0x19: {  	_ =	swait.ge [sflag:s17], $0x3800  }
0x1a: {  	[sflag:s17] =	ssyncset.done $0x0  }
0x1b: {  	s22 =	sadd.s32 $0x0, s11;
	[sflag:s17] =	ssyncadd.s32 $0xFFFFC800  }
0x1c: {  	[hbm4b:s22+s3] =	stream.linear.scatter [tilespmem:s15], [sflag:$0x3], $0x1900, $0x38;
	[tilespmem:$0x8C00] =	vst v63  }
0x1d: {  	_ =	swait.ge [sflag:s13], $0x1900  }
0x1e: {  	[sflag:s13] =	ssyncset.done $0x0  }
0x1f: {  	s23 =	sadd.s32 $0x0, s12;
	[sflag:s13] =	ssyncadd.s32 $0xFFFFE700  }
0x20: {  	[hbm4b:s23+s3] =	stream.linear.scatter [tilespmem:s18], [sflag:$0x3], $0x1900, $0x38;
	[tilespmem:$0x8C00] =	vst v63  }
0x21: {  	_ =	swait.ge [sflag:s13], $0x1900  }
0x22: {  	[sflag:s13] =	ssyncset.done $0x0  }
0x23: {  	s30 =	simm.s32 $0xE0;
	[sflag:s13] =	ssyncadd.s32 $0xFFFFE700  }
0x24: {  	[tilespmem:s15], [sflag:$0x1] =	stream.indirect.gather [hbm4b:s2+s14], $0x80, s30, s14, $0xb8;
	[tilespmem:$0x8C00] =	vst v63  }
0x25: {  	_ =	swait.ge [sflag:s19], $0x3800  }
0x26: {  	[sflag:s19] =	ssyncset.done $0x0  }
0x27: {  	s22 =	sadd.s32 $0x700, s22;
	[sflag:s19] =	ssyncadd.s32 $0xFFFFC800  }
0x28: {  	[hbm4b:s22+s3] =	stream.linear.scatter [tilespmem:s16], [sflag:$0x3], $0x1900, $0x38;
	[tilespmem:$0x8C00] =	vst v63  }
0x29: {  	_ =	swait.ge [sflag:s13], $0x1900  }
0x2a: {  	[sflag:s13] =	ssyncset.done $0x0  }
0x2b: {  	s31 =	sadd.s32 $0x0, s10;
	[sflag:s13] =	ssyncadd.s32 $0xFFFFE700  }
0x2c: {  	[hbm4b:s31+s3] =	stream.linear.scatter [tilespmem:s20], [sflag:$0x3], $0x1900, $0x38;
	[tilespmem:$0x8C00] =	vst v63  }
0x2d: {  	_ =	swait.ge [sflag:s13], $0x1900  }
0x2e: {  	s24 =	simm.s32 $0x230;
	[sflag:s13] =	ssyncset.done $0x0  }
0x2f: {  	s23 =	simm.s32 $0xE00;
	s22 =	simm.s32 $0x150;
	[sflag:s13] =	ssyncadd.s32 $0xFFFFE700  }
.LBB2_2:
0x30: {  	[tilespmem:s16], [sflag:$0x2] =	stream.indirect.gather [hbm4b:s2+s14], $0x80, s22, s14, $0xb8;
	[tilespmem:$0x8C00] =	vst v63  }
0x31: {  	s25 =	smov.u32 s23;
	s22 =	smov.u32 s24  }
0x32: {  	p0 =	sne.s32 s23, $0x1A400;
	s23 =	sadd.s32 $0xE00, s23;
	_ =	swait.ge [sflag:s17], $0x3800  }
0x33: {  	[sflag:s17] =	ssyncset.done $0x0  }
0x34: {  	s26 =	sadd.s32 s25, s11;
	[sflag:s17] =	ssyncadd.s32 $0xFFFFC800  }
0x35: {  	[hbm4b:s26+s3] =	stream.linear.scatter [tilespmem:s15], [sflag:$0x3], $0x1900, $0x38;
	[tilespmem:$0x8C00] =	vst v63  }
0x36: {  	_ =	swait.ge [sflag:s13], $0x1900  }
0x37: {  	[sflag:s13] =	ssyncset.done $0x0  }
0x38: {  	s28 =	sadd.s32 s25, s12;
	[sflag:s13] =	ssyncadd.s32 $0xFFFFE700  }
0x39: {  	[hbm4b:s28+s3] =	stream.linear.scatter [tilespmem:s18], [sflag:$0x3], $0x1900, $0x38;
	[tilespmem:$0x8C00] =	vst v63  }
0x3a: {  	_ =	swait.ge [sflag:s13], $0x1900  }
0x3b: {  	[sflag:s13] =	ssyncset.done $0x0  }
0x3c: {  	s28 =	sadd.s32 $0xFFFFFF90, s24;
	[sflag:s13] =	ssyncadd.s32 $0xFFFFE700  }
0x3d: {  	[tilespmem:s15], [sflag:$0x1] =	stream.indirect.gather [hbm4b:s2+s14], $0x80, s28, s14, $0xb8;
	[tilespmem:$0x8C00] =	vst v63  }
0x3e: {  	_ =	swait.ge [sflag:s19], $0x3800  }
0x3f: {  	[sflag:s19] =	ssyncset.done $0x0  }
0x40: {  	s26 =	sadd.s32 $0x700, s26;
	[sflag:s19] =	ssyncadd.s32 $0xFFFFC800  }
0x41: {  	[hbm4b:s26+s3] =	stream.linear.scatter [tilespmem:s16], [sflag:$0x3], $0x1900, $0x38;
	[tilespmem:$0x8C00] =	vst v63  }
0x42: {  	_ =	swait.ge [sflag:s13], $0x1900  }
0x43: {  	[sflag:s13] =	ssyncset.done $0x0  }
.Ltmp0:
0x44: {  	s25 =	sadd.s32 s25, s10;
	[sflag:s13] =	ssyncadd.s32 $0xFFFFE700;
	(pc) =	sbr.rel @p0 .LBB2_2-.Ltmp0, $4  }
0x45: {  	[hbm4b:s25+s3] =	stream.linear.scatter [tilespmem:s20], [sflag:$0x3], $0x1900, $0x38;
	[tilespmem:$0x8C00] =	vst v63  }
0x46: {  	_ =	swait.ge [sflag:s13], $0x1900  }
0x47: {  	[sflag:s13] =	ssyncset.done $0x0  }
0x48: {  	s24 =	sadd.s32 $0xE0, s24;
	[sflag:s13] =	ssyncadd.s32 $0xFFFFE700  }
0x49: {  	[tilespmem:s16], [sflag:$0x2] =	stream.indirect.gather [hbm4b:s2+s14], $0x80, s22, s14, $0xb8;
	[tilespmem:$0x8C00] =	vst v63  }
0x4a: {  	_ =	swait.ge [sflag:s17], $0x3800  }
0x4b: {  	[sflag:s17] =	ssyncset.done $0x0  }
0x4c: {  	[sflag:s17] =	ssyncadd.s32 $0xFFFFC800  }
0x4d: {  	[hbm4b:s5+s3] =	stream.linear.scatter [tilespmem:s15], [sflag:$0x3], $0x1900, $0x38;
	[tilespmem:$0x8C00] =	vst v63  }
0x4e: {  	_ =	swait.ge [sflag:s13], $0x1900  }
0x4f: {  	[sflag:s13] =	ssyncset.done $0x0  }
0x50: {  	[sflag:s13] =	ssyncadd.s32 $0xFFFFE700  }
0x51: {  	[hbm4b:s6+s3] =	stream.linear.scatter [tilespmem:s18], [sflag:$0x3], $0x1900, $0x38;
	[tilespmem:$0x8C00] =	vst v63  }
0x52: {  	_ =	swait.ge [sflag:s13], $0x1900  }
0x53: {  	[sflag:s13] =	ssyncset.done $0x0  }
0x54: {  	[sflag:s13] =	ssyncadd.s32 $0xFFFFE700  }
0x55: {  	_ =	swait.ge [sflag:s19], $0x3800  }
0x56: {  	[sflag:s19] =	ssyncset.done $0x0  }
0x57: {  	[sflag:s19] =	ssyncadd.s32 $0xFFFFC800  }
0x58: {  	[hbm4b:s7+s3] =	stream.linear.scatter [tilespmem:s16], [sflag:$0x3], $0x1900, $0x38;
	[tilespmem:$0x8C00] =	vst v63  }
0x59: {  	s21 =	sadd.s32 $0x1, s21;
	_ =	swait.ge [sflag:s13], $0x1900  }
0x5a: {  	p0 =	sne.s32 s21, s9;
	[sflag:s13] =	ssyncset.done $0x0  }
.Ltmp1:
0x5b: {  	[sflag:s13] =	ssyncadd.s32 $0xFFFFE700;
	(pc) =	sbr.rel @p0 .LBB2_1-.Ltmp1, $4  }
0x5c: {  	[hbm4b:s8+s3] =	stream.linear.scatter [tilespmem:s20], [sflag:$0x3], $0x1900, $0x38;
	[tilespmem:$0x8C00] =	vst v63  }
0x5d: {  	_ =	swait.ge [sflag:s13], $0x1900  }
0x5e: {  	[sflag:s13] =	ssyncset.done $0x0  }
0x5f: {  	[sflag:s13] =	ssyncadd.s32 $0xFFFFE700  }
0x60: {  	_ =	sfence.sel $0x180000  }
0x61: {  	[bflag:$0x0] =	sbarrier.arrive $0xFFFF  }
0x62: {  	p0 =	sne.s32 s0, $0x0;
	_ =	strace $0x90000047  }
0x63: {  	s0 =	sadd.s32 @!p0 $0x100000, s1;
	[bflag:$0x2] =	sbarrier.arrive $0xFFFF  }
0x64: {  	[sflag:s0] =	ssyncadd.tile.s32 @!p0 $0x1;
	_ =	shalt  }
.Lfunc_end2:
_tile_overlayer_lowered:
.L_overlay_start_2:
0x65: {  	(tag) =	ssettag $0x2  }
0x66: {  	s0 =	rddreg [dreg:$0x0];
	s2 =	stileid.u32  }
0x67: {  	s1 =	rddreg [dreg:$0x1];
	p0 =	sne.s32 s2, $0x0  }
0x68: {  	s3 =	rddreg [dreg:$0x2];
	[bflag:$0x3] =	sbarrier.arrive $0xFFFF;
	s2 =	simm.s32 @!p0 $0x1C03  }
0x69: {  	[timem:s3], [sflag:s2] =	dma.local @!p0 [hbm:s0], s1  }
0x6a: {  	s0 =	simm.s32 @!p0 $0x3  }
0x6b: {  	_ =	swait.ge @!p0 [sflag:s0], s1  }
0x6c: {  	s1 =	ssub.s32 @!p0 $0x0, s1;
	[sflag:s0] =	ssyncset.done @!p0 $0x0  }
0x6d: {  	[sflag:s0] =	ssyncadd.s32 @!p0 s1  }
0x6e: {  	[bflag:$0x3] =	sbarrier.arrive $0xFFFF  }
0x6f: {  	_ =	shalt  }

</sc_bundles>
